<compile_context>
chip_gen: v7x
topology: tpu7x:2x2x1
jax: 0.10.2.dev20260603
libtpu: 0.0.44.dev20260713+nightly
codegen_flags: <defaults>
</compile_context>

<pallas_src>
import functools
import math

import jax
import jax.numpy as jnp
import numpy as np
from jax import lax
from jax.experimental import pallas as pl
from jax.experimental.pallas import tpu as pltpu
from jax.experimental.pallas import tpu_sc as plsc

NUM_GRAPHS = 64
NODES_PER_GRAPH = 32
NUM_NODES = NUM_GRAPHS * NODES_PER_GRAPH
D_IN = 128
NUM_SPECIES = 90
LMAX = 4
N_COEFFS = (LMAX + 1) ** 2
N_RADII = 64
RES_BETA = 40
RES_ALPHA = 79


def _legendre_table(lmax, x):
    n = x.shape[0]
    P = np.zeros((lmax + 1, lmax + 1, n))
    P[0, 0] = 1.0
    somx2 = np.sqrt(np.maximum(1.0 - x * x, 0.0))
    for m in range(1, lmax + 1):
        P[m, m] = -(2 * m - 1) * somx2 * P[m - 1, m - 1]
    for m in range(lmax):
        P[m + 1, m] = x * (2 * m + 1) * P[m, m]
    for m in range(lmax + 1):
        for l in range(m + 2, lmax + 1):
            P[l, m] = ((2 * l - 1) * x * P[l - 1, m] - (l + m - 1) * P[l - 2, m]) / (l - m)
    return P


def _sph_factors(lmax, res_beta, res_alpha):
    x, _ = np.polynomial.legendre.leggauss(res_beta)
    alpha = np.linspace(0.0, 2.0 * np.pi, res_alpha, endpoint=False)
    P = _legendre_table(lmax, x)
    n_c = (lmax + 1) ** 2
    PP = np.zeros((res_beta, n_c))
    TR = np.zeros((n_c, res_alpha))
    for l in range(lmax + 1):
        for m in range(-l, l + 1):
            c = l * l + l + m
            am = abs(m)
            N = math.sqrt((2 * l + 1) / (4.0 * math.pi)
                          * math.factorial(l - am) / math.factorial(l + am))
            if m == 0:
                PP[:, c] = N * P[l, 0]
                TR[c] = 1.0
            elif m > 0:
                PP[:, c] = math.sqrt(2.0) * N * P[l, m]
                TR[c] = np.cos(m * alpha)
            else:
                PP[:, c] = math.sqrt(2.0) * N * P[l, am]
                TR[c] = np.sin(am * alpha)
    return PP.astype(np.float32), TR.astype(np.float32)


_PP, _TRIG = _sph_factors(LMAX, RES_BETA, RES_ALPHA)
import ml_dtypes as _mld
_TRIG_HI = _TRIG.astype(_mld.bfloat16).astype(np.float32)
_TRIG_LO = (_TRIG - _TRIG_HI).astype(_mld.bfloat16).astype(np.float32)
_TRIG_CAT = np.concatenate(
    [_TRIG_HI, np.zeros((N_COEFFS, 128 - RES_ALPHA), np.float32), _TRIG_LO],
    axis=1)
_GB = 2
_R40 = np.kron(np.eye(_GB * N_RADII, dtype=np.float32),
               np.ones((RES_BETA, 1), np.float32))
_PP_TILE = np.tile(_PP, (_GB * N_RADII, 1))


def _silu(x):
    return x / (1.0 + jnp.exp(-x))


def _sc_gather_body(nf_hbm, semb_hbm, fi_hbm, ts_hbm,
                    focus_out, tse_out,
                    idx_v, rows_f, rows_s, sem):
    sid = lax.axis_index("s")
    cid = lax.axis_index("c")

    @pl.when((cid == 0) & (sid == 0))
    def _():
        pltpu.sync_copy(fi_hbm, idx_v)
        pltpu.async_copy(nf_hbm.at[idx_v], rows_f, sem).wait()
        pltpu.sync_copy(rows_f, focus_out)

    @pl.when((cid == 1) & (sid == 0))
    def _():
        pltpu.sync_copy(ts_hbm, idx_v)
        pltpu.async_copy(semb_hbm.at[idx_v], rows_s, sem).wait()
        pltpu.sync_copy(rows_s, tse_out)


_sc_gather = functools.partial(
    pl.kernel,
    mesh=plsc.VectorSubcoreMesh(core_axis_name="c", subcore_axis_name="s"),
    out_type=[
        jax.ShapeDtypeStruct((NUM_GRAPHS, D_IN), jnp.float32),
        jax.ShapeDtypeStruct((NUM_GRAPHS, 128), jnp.float32),
    ],
    scratch_types=[
        pltpu.VMEM((NUM_GRAPHS,), jnp.int32),
        pltpu.VMEM((NUM_GRAPHS, D_IN), jnp.float32),
        pltpu.VMEM((NUM_GRAPHS, 128), jnp.float32),
        pltpu.SemaphoreType.DMA,
    ],
)(_sc_gather_body)


def _head_body(nf_ref, wemb_ref, w1_ref, w2_ref, w3_ref, wpos_ref,
               ff_ref, tse_ref, logits_ref, probs_ref, coeffs_ref):
    ne = jnp.dot(nf_ref[...], wemb_ref[...], preferred_element_type=jnp.float32)
    h = _silu(jnp.dot(ne, w1_ref[...], preferred_element_type=jnp.float32))
    h = _silu(jnp.dot(h, w2_ref[...], preferred_element_type=jnp.float32))
    logits = jnp.dot(h, w3_ref[...], preferred_element_type=jnp.float32)
    logits_ref[...] = logits
    x3 = logits.reshape(NUM_GRAPHS, NODES_PER_GRAPH, NUM_SPECIES + 1)
    m = jnp.max(jnp.max(x3, axis=2, keepdims=True), axis=1, keepdims=True)
    e = jnp.exp(x3 - m)
    norm = jnp.sum(jnp.sum(e, axis=2, keepdims=True), axis=1, keepdims=True)
    probs_ref[...] = (e / norm).reshape(NUM_NODES, NUM_SPECIES + 1)
    focus = jnp.dot(ff_ref[...], wemb_ref[...], preferred_element_type=jnp.float32)
    coeffs_ref[...] = jnp.dot(tse_ref[...] * focus, wpos_ref[...],
                              preferred_element_type=jnp.float32)


def _pos_body(coef_ref, r40_ref, ppt_ref, trig_cat_ref, trig_hi_ref,
              logit_ref, prob_ref):
    cg = coef_ref[...].reshape(_GB * N_RADII, N_COEFFS)
    crep = jnp.dot(r40_ref[...], cg, preferred_element_type=jnp.float32)
    e = crep * ppt_ref[...]
    ehi = e.astype(jnp.bfloat16)
    elo = (e - ehi.astype(jnp.float32)).astype(jnp.bfloat16)
    lg2 = jnp.dot(ehi, trig_cat_ref[...], preferred_element_type=jnp.float32)
    lgl = jnp.dot(elo, trig_hi_ref[...], preferred_element_type=jnp.float32)
    lg = lg2[:, :RES_ALPHA] + lg2[:, 128:] + lgl
    lg3 = lg.reshape(_GB, N_RADII * RES_BETA, RES_ALPHA)
    m = jnp.max(jnp.max(lg3, axis=1, keepdims=True), axis=2, keepdims=True)
    logit_ref[...] = lg3
    prob_ref[...] = jnp.exp(lg3 - m)


def kernel(node_feats, W_emb, W_mlp1, W_mlp2, W_mlp3, species_embed, W_pos,
           n_node, target_species):
    f32 = jnp.float32
    fidx = jnp.concatenate(
        [jnp.zeros((1,), jnp.int32), jnp.cumsum(n_node)[:-1].astype(jnp.int32)])
    focus_feats, tse = _sc_gather(
        node_feats, species_embed, fidx, target_species.astype(jnp.int32))
    species_logits, species_probs, coeffs = pl.pallas_call(
        _head_body,
        out_shape=[
            jax.ShapeDtypeStruct((NUM_NODES, NUM_SPECIES + 1), f32),
            jax.ShapeDtypeStruct((NUM_NODES, NUM_SPECIES + 1), f32),
            jax.ShapeDtypeStruct((NUM_GRAPHS, N_RADII * N_COEFFS), f32),
        ],
    )(node_feats, W_emb, W_mlp1, W_mlp2, W_mlp3, W_pos, focus_feats, tse)

    position_coeffs = coeffs.reshape(NUM_GRAPHS, N_RADII, N_COEFFS)
    rb = N_RADII * RES_BETA
    lg_flat, pb_flat = pl.pallas_call(
        _pos_body,
        grid=(NUM_GRAPHS // _GB,),
        in_specs=[
            pl.BlockSpec((_GB, N_RADII, N_COEFFS), lambda g: (g, 0, 0)),
            pl.BlockSpec((_GB * rb, _GB * N_RADII), lambda g: (0, 0)),
            pl.BlockSpec((_GB * rb, N_COEFFS), lambda g: (0, 0)),
            pl.BlockSpec((N_COEFFS, 128 + RES_ALPHA), lambda g: (0, 0)),
            pl.BlockSpec((N_COEFFS, RES_ALPHA), lambda g: (0, 0)),
        ],
        out_specs=[
            pl.BlockSpec((_GB, rb, RES_ALPHA), lambda g: (g, 0, 0)),
            pl.BlockSpec((_GB, rb, RES_ALPHA), lambda g: (g, 0, 0)),
        ],
        out_shape=[
            jax.ShapeDtypeStruct((NUM_GRAPHS, rb, RES_ALPHA), f32),
            jax.ShapeDtypeStruct((NUM_GRAPHS, rb, RES_ALPHA), f32),
        ],
    )(position_coeffs, jnp.asarray(_R40), jnp.asarray(_PP_TILE),
      jnp.asarray(_TRIG_CAT).astype(jnp.bfloat16),
      jnp.asarray(_TRIG_HI).astype(jnp.bfloat16))

    position_logits = lg_flat.reshape(NUM_GRAPHS, N_RADII, RES_BETA, RES_ALPHA)
    position_probs = pb_flat.reshape(NUM_GRAPHS, N_RADII, RES_BETA, RES_ALPHA)
    return (species_logits, species_probs, position_coeffs, position_logits,
            position_probs, fidx)

# --- scband reference (transcript-rebuilt; emitter-appended) ---
"""Pipeline reference for scband-predictor-16561393893490 (READ-ONLY COPY).

The authoritative reference and input builder live on the scoring server;
editing this copy changes nothing except your own understanding.
"""

import jax, jax.numpy as jnp
import numpy as np
import math

NUM_GRAPHS = 64
NODES_PER_GRAPH = 32
NUM_NODES = NUM_GRAPHS * NODES_PER_GRAPH
D_IN = 128
LATENT = 128
NUM_SPECIES = 90
LMAX = 4
N_COEFFS = (LMAX + 1) ** 2
N_RADII = 64  # len(jnp.arange(0.75, 2.03, 0.02))
RES_BETA = 40
RES_ALPHA = 79


def _assoc_legendre(lmax, x):
    n = x.shape[0]
    P = np.zeros((lmax + 1, lmax + 1, n))
    P[0, 0] = 1.0
    somx2 = np.sqrt(np.maximum(1.0 - x * x, 0.0))
    for m in range(1, lmax + 1):
        P[m, m] = -(2 * m - 1) * somx2 * P[m - 1, m - 1]
    for m in range(lmax):
        P[m + 1, m] = x * (2 * m + 1) * P[m, m]
    for m in range(lmax + 1):
        for l in range(m + 2, lmax + 1):
            P[l, m] = ((2 * l - 1) * x * P[l - 1, m] - (l + m - 1) * P[l - 2, m]) / (l - m)
    return P


def _sph_basis(lmax, res_beta, res_alpha):
    # gauss-legendre quadrature nodes in cos(beta), uniform alpha (matches e3nn to_s2grid layout)
    x, _ = np.polynomial.legendre.leggauss(res_beta)
    alpha = np.linspace(0.0, 2.0 * np.pi, res_alpha, endpoint=False)
    P = _assoc_legendre(lmax, x)
    Y = np.zeros(((lmax + 1) ** 2, res_beta, res_alpha))
    for l in range(lmax + 1):
        for m in range(-l, l + 1):
            am = abs(m)
            N = math.sqrt((2 * l + 1) / (4.0 * math.pi) * math.factorial(l - am) / math.factorial(l + am))
            if m == 0:
                Y[l * l + l] = N * P[l, 0][:, None] * np.ones_like(alpha)[None, :]
            elif m > 0:
                Y[l * l + l + m] = math.sqrt(2.0) * N * P[l, m][:, None] * np.cos(m * alpha)[None, :]
            else:
                Y[l * l + l + m] = math.sqrt(2.0) * N * P[l, am][:, None] * np.sin(am * alpha)[None, :]
    return Y.astype(np.float32)


Y_GRID = _sph_basis(LMAX, RES_BETA, RES_ALPHA)


def setup_inputs(seed: int = 0):
    key = jax.random.key(seed)
    ks = jax.random.split(key, 10)
    node_feats = jax.random.normal(ks[0], (NUM_NODES, D_IN), dtype=jnp.float32)
    n_node = jnp.full((NUM_GRAPHS,), NODES_PER_GRAPH, dtype=jnp.int32)
    target_species = jax.random.randint(ks[1], (NUM_GRAPHS,), 0, NUM_SPECIES)
    W_emb = jax.random.normal(ks[2], (D_IN, LATENT), dtype=jnp.float32) / np.sqrt(D_IN)
    W_mlp1 = jax.random.normal(ks[3], (LATENT, LATENT), dtype=jnp.float32) / np.sqrt(LATENT)
    W_mlp2 = jax.random.normal(ks[4], (LATENT, LATENT), dtype=jnp.float32) / np.sqrt(LATENT)
    W_mlp3 = jax.random.normal(ks[5], (LATENT, NUM_SPECIES + 1), dtype=jnp.float32) / np.sqrt(LATENT)
    species_embed = jax.random.normal(ks[6], (NUM_SPECIES, LATENT), dtype=jnp.float32)
    W_pos = jax.random.normal(ks[7], (LATENT, N_RADII * N_COEFFS), dtype=jnp.float32) / np.sqrt(LATENT)
    return {'node_feats': node_feats, 'W_emb': W_emb, 'W_mlp1': W_mlp1, 'W_mlp2': W_mlp2,
            'W_mlp3': W_mlp3, 'species_embed': species_embed, 'W_pos': W_pos,
            'n_node': n_node, 'target_species': target_species}


def reference(node_feats, W_emb, W_mlp1, W_mlp2, W_mlp3, species_embed, W_pos, n_node, target_species):
    num_nodes = node_feats.shape[0]
    num_graphs = n_node.shape[0]
    # get_segment_ids
    segment_ids = jnp.repeat(jnp.arange(num_graphs), n_node, axis=0, total_repeat_length=num_nodes)
    # node_embedder (scalar 0e channel)
    node_embeddings = node_feats @ W_emb
    # FocusAndTargetSpeciesPredictor: MLP [latent]*(num_layers-1) + [num_species+1]
    h = jax.nn.silu(node_embeddings @ W_mlp1)
    h = jax.nn.silu(h @ W_mlp2)
    species_logits = h @ W_mlp3
    # segment_softmax_2D
    seg_max = jax.ops.segment_max(species_logits, segment_ids, num_segments=num_graphs).max(axis=-1)
    shifted = species_logits - seg_max[segment_ids, None]
    exp_logits = jnp.exp(shifted)
    norm = jax.ops.segment_sum(jnp.sum(exp_logits, axis=1), segment_ids, num_segments=num_graphs)
    species_probs = exp_logits / norm[segment_ids, None]
    # get_first_node_indices + gather focus embeddings
    focus_idx = jnp.concatenate((jnp.asarray([0], dtype=jnp.int32), jnp.cumsum(n_node)[:-1]))
    focus_emb = jnp.take(node_embeddings, focus_idx, axis=0)
    # TargetPositionPredictor
    ts_emb = jnp.take(species_embed, target_species, axis=0)
    coeffs = (ts_emb * focus_emb) @ W_pos
    position_coeffs = coeffs.reshape(num_graphs, N_RADII, N_COEFFS)
    Y = jnp.asarray(Y_GRID, dtype=position_coeffs.dtype)
    position_logits = jnp.einsum('grc,cba->grba', position_coeffs, Y)
    position_max = jnp.max(position_logits, axis=(-3, -2, -1), keepdims=True)
    position_probs = jnp.exp(position_logits - position_max)
    return (species_logits, species_probs, position_coeffs, position_logits, position_probs, focus_idx)

if __name__ == "__main__":
    import jax
    _d = setup_inputs()
    print(jax.jit(kernel)(*tuple(_d.values())))

</pallas_src>

<mosaic_0001>
#map = affine_map<(d0, d1) -> (0, 0)>
#map1 = affine_map<(d0, d1) -> (0)>
module attributes {stable_mosaic.version = 14 : i64} {
  func.func @_sc_gather_body(%arg0: i32, %arg1: i32, %arg2: memref<2048x128xf32, #tpu.memory_space<hbm>>, %arg3: memref<90x128xf32, #tpu.memory_space<hbm>>, %arg4: memref<64xi32, #tpu.memory_space<hbm>>, %arg5: memref<64xi32, #tpu.memory_space<hbm>>, %arg6: memref<64x128xf32, #tpu.memory_space<hbm>>, %arg7: memref<64x128xf32, #tpu.memory_space<hbm>>, %arg8: memref<64xi32, #tpu.memory_space<vmem>>, %arg9: memref<64x128xf32, #tpu.memory_space<vmem>>, %arg10: memref<64x128xf32, #tpu.memory_space<vmem>>, %arg11: memref<!tpu.dma_semaphore, #tpu.memory_space<semaphore_mem>>) attributes {dimension_semantics = [#tpu.dimension_semantics<core_parallel>, #tpu.dimension_semantics<subcore_parallel>], iteration_bounds = array<i64: 2, 16>, scalar_prefetch = 0 : i64, scratch_operands = 4 : i64, tpu.core_type = #tpu.core_type<sc_vector_subcore>, window_params = [{transform_indices = #map}, {transform_indices = #map}, {transform_indices = #map1}, {transform_indices = #map1}, {transform_indices = #map}, {transform_indices = #map}]} {
    %eq3A = arith.constant 0 : i32
    %eq3A_0 = arith.cmpi eq, %arg0, %eq3A : i32
    %eq3A_1 = arith.constant 0 : i32
    %eq3A_2 = arith.cmpi eq, %arg1, %eq3A_1 : i32
    %and3A = arith.andi %eq3A_0, %eq3A_2 : i1
    %convert_element_type3A = arith.extui %and3A : i1 to i32
    %cond3A = arith.constant 0 : i32
    %cond3A_3 = arith.cmpi ne, %convert_element_type3A, %cond3A : i32
    scf.if %cond3A_3 {
      "tpu.region"() ({
        %run_scoped3A = tpu.sem_alloc : memref<!tpu.dma_semaphore, #tpu.memory_space<semaphore_mem>>
        tpu.enqueue_dma source(%arg4 : memref<64xi32, #tpu.memory_space<hbm>>) target(%arg8 : memref<64xi32, #tpu.memory_space<vmem>>) target_semaphore(%run_scoped3A : memref<!tpu.dma_semaphore, #tpu.memory_space<semaphore_mem>>)
        tpu.wait_dma2 semaphore(%run_scoped3A : memref<!tpu.dma_semaphore, #tpu.memory_space<semaphore_mem>>) src(%arg4 : memref<64xi32, #tpu.memory_space<hbm>>) dst(%arg8 : memref<64xi32, #tpu.memory_space<vmem>>)
        tpu.yield
      }) : () -> ()
      %dma_start3A = arith.constant 0 : i32
      %dma_start3A_12 = arith.constant 0 : i32
      %dma_start3A_13 = tpu.memref_slice %arg2[%dma_start3A, %dma_start3A_12] : memref<2048x128xf32, #tpu.memory_space<hbm>> -> memref<2048x128xf32, #tpu.memory_space<hbm>>
      tpu.enqueue_indirect_dma source(%dma_start3A_13 : memref<2048x128xf32, #tpu.memory_space<hbm>>) target(%arg9 : memref<64x128xf32, #tpu.memory_space<vmem>>) offsets(%arg8 : memref<64xi32, #tpu.memory_space<vmem>>) semaphore(%arg11 : memref<!tpu.dma_semaphore, #tpu.memory_space<semaphore_mem>>)
      %dma_wait3A = arith.constant 0 : i32
      %dma_wait3A_14 = arith.constant 0 : i32
      %dma_wait3A_15 = tpu.memref_slice %arg2[%dma_wait3A, %dma_wait3A_14] : memref<2048x128xf32, #tpu.memory_space<hbm>> -> memref<2048x128xf32, #tpu.memory_space<hbm>>
      tpu.wait_indirect_dma semaphore(%arg11 : memref<!tpu.dma_semaphore, #tpu.memory_space<semaphore_mem>>) src(%dma_wait3A_15 : memref<2048x128xf32, #tpu.memory_space<hbm>>) dst(%arg9 : memref<64x128xf32, #tpu.memory_space<vmem>>)
      "tpu.region"() ({
        %run_scoped3A = tpu.sem_alloc : memref<!tpu.dma_semaphore, #tpu.memory_space<semaphore_mem>>
        tpu.enqueue_dma source(%arg9 : memref<64x128xf32, #tpu.memory_space<vmem>>) target(%arg6 : memref<64x128xf32, #tpu.memory_space<hbm>>) target_semaphore(%run_scoped3A : memref<!tpu.dma_semaphore, #tpu.memory_space<semaphore_mem>>)
        tpu.wait_dma2 semaphore(%run_scoped3A : memref<!tpu.dma_semaphore, #tpu.memory_space<semaphore_mem>>) src(%arg9 : memref<64x128xf32, #tpu.memory_space<vmem>>) dst(%arg6 : memref<64x128xf32, #tpu.memory_space<hbm>>)
        tpu.yield
      }) : () -> ()
    } else {
    }
    %eq3A_4 = arith.constant 1 : i32
    %eq3A_5 = arith.cmpi eq, %arg0, %eq3A_4 : i32
    %eq3A_6 = arith.constant 0 : i32
    %eq3A_7 = arith.cmpi eq, %arg1, %eq3A_6 : i32
    %and3A_8 = arith.andi %eq3A_5, %eq3A_7 : i1
    %convert_element_type3A_9 = arith.extui %and3A_8 : i1 to i32
    %cond3A_10 = arith.constant 0 : i32
    %cond3A_11 = arith.cmpi ne, %convert_element_type3A_9, %cond3A_10 : i32
    scf.if %cond3A_11 {
      "tpu.region"() ({
        %run_scoped3A = tpu.sem_alloc : memref<!tpu.dma_semaphore, #tpu.memory_space<semaphore_mem>>
        tpu.enqueue_dma source(%arg5 : memref<64xi32, #tpu.memory_space<hbm>>) target(%arg8 : memref<64xi32, #tpu.memory_space<vmem>>) target_semaphore(%run_scoped3A : memref<!tpu.dma_semaphore, #tpu.memory_space<semaphore_mem>>)
        tpu.wait_dma2 semaphore(%run_scoped3A : memref<!tpu.dma_semaphore, #tpu.memory_space<semaphore_mem>>) src(%arg5 : memref<64xi32, #tpu.memory_space<hbm>>) dst(%arg8 : memref<64xi32, #tpu.memory_space<vmem>>)
        tpu.yield
      }) : () -> ()
      %dma_start3A = arith.constant 0 : i32
      %dma_start3A_12 = arith.constant 0 : i32
      %dma_start3A_13 = tpu.memref_slice %arg3[%dma_start3A, %dma_start3A_12] : memref<90x128xf32, #tpu.memory_space<hbm>> -> memref<90x128xf32, #tpu.memory_space<hbm>>
      tpu.enqueue_indirect_dma source(%dma_start3A_13 : memref<90x128xf32, #tpu.memory_space<hbm>>) target(%arg10 : memref<64x128xf32, #tpu.memory_space<vmem>>) offsets(%arg8 : memref<64xi32, #tpu.memory_space<vmem>>) semaphore(%arg11 : memref<!tpu.dma_semaphore, #tpu.memory_space<semaphore_mem>>)
      %dma_wait3A = arith.constant 0 : i32
      %dma_wait3A_14 = arith.constant 0 : i32
      %dma_wait3A_15 = tpu.memref_slice %arg3[%dma_wait3A, %dma_wait3A_14] : memref<90x128xf32, #tpu.memory_space<hbm>> -> memref<90x128xf32, #tpu.memory_space<hbm>>
      tpu.wait_indirect_dma semaphore(%arg11 : memref<!tpu.dma_semaphore, #tpu.memory_space<semaphore_mem>>) src(%dma_wait3A_15 : memref<90x128xf32, #tpu.memory_space<hbm>>) dst(%arg10 : memref<64x128xf32, #tpu.memory_space<vmem>>)
      "tpu.region"() ({
        %run_scoped3A = tpu.sem_alloc : memref<!tpu.dma_semaphore, #tpu.memory_space<semaphore_mem>>
        tpu.enqueue_dma source(%arg10 : memref<64x128xf32, #tpu.memory_space<vmem>>) target(%arg7 : memref<64x128xf32, #tpu.memory_space<hbm>>) target_semaphore(%run_scoped3A : memref<!tpu.dma_semaphore, #tpu.memory_space<semaphore_mem>>)
        tpu.wait_dma2 semaphore(%run_scoped3A : memref<!tpu.dma_semaphore, #tpu.memory_space<semaphore_mem>>) src(%arg10 : memref<64x128xf32, #tpu.memory_space<vmem>>) dst(%arg7 : memref<64x128xf32, #tpu.memory_space<hbm>>)
        tpu.yield
      }) : () -> ()
    } else {
    }
    return
  }
}

module attributes {stable_mosaic.version = 14 : i64} {
  func.func @_head_body(%arg0: memref<2048x128xf32, #tpu.memory_space<vmem>>, %arg1: memref<128x128xf32, #tpu.memory_space<vmem>>, %arg2: memref<128x128xf32, #tpu.memory_space<vmem>>, %arg3: memref<128x128xf32, #tpu.memory_space<vmem>>, %arg4: memref<128x91xf32, #tpu.memory_space<vmem>>, %arg5: memref<128x1600xf32, #tpu.memory_space<vmem>>, %arg6: memref<64x128xf32, #tpu.memory_space<vmem>>, %arg7: memref<64x128xf32, #tpu.memory_space<vmem>>, %arg8: memref<2048x91xf32, #tpu.memory_space<vmem>>, %arg9: memref<2048x91xf32, #tpu.memory_space<vmem>>, %arg10: memref<64x1600xf32, #tpu.memory_space<vmem>>) attributes {dimension_semantics = [], scalar_prefetch = 0 : i64, scratch_operands = 0 : i64, tpu.core_type = #tpu.core_type<tc>} {
    %get3A = arith.constant 0 : index
    %get3A_0 = arith.constant 0 : index
    %get3A_1 = vector.load %arg0[%get3A, %get3A_0] : memref<2048x128xf32, #tpu.memory_space<vmem>>, vector<2048x128xf32>
    %get3A_2 = arith.constant 0 : index
    %get3A_3 = arith.constant 0 : index
    %get3A_4 = vector.load %arg1[%get3A_2, %get3A_3] : memref<128x128xf32, #tpu.memory_space<vmem>>, vector<128x128xf32>
    %dot_general3A = arith.constant dense<0.000000e+00> : vector<2048x128xf32>
    %dot_general3A_5 = tpu.matmul %get3A_1, %get3A_4, %dot_general3A {dimension_numbers = #tpu.dot_dimension_numbers<[1], [0], [0], [1], [0, 0, 1, 1], [], []>, transpose_lhs_hint = false} : vector<2048x128xf32>, vector<128x128xf32>, vector<2048x128xf32> -> vector<2048x128xf32>
    %get3A_6 = arith.constant 0 : index
    %get3A_7 = arith.constant 0 : index
    %get3A_8 = vector.load %arg2[%get3A_6, %get3A_7] : memref<128x128xf32, #tpu.memory_space<vmem>>, vector<128x128xf32>
    %dot_general3A_9 = arith.constant dense<0.000000e+00> : vector<2048x128xf32>
    %dot_general3A_10 = tpu.matmul %dot_general3A_5, %get3A_8, %dot_general3A_9 {dimension_numbers = #tpu.dot_dimension_numbers<[1], [0], [0], [1], [0, 0, 1, 1], [], []>, transpose_lhs_hint = false} : vector<2048x128xf32>, vector<128x128xf32>, vector<2048x128xf32> -> vector<2048x128xf32>
    %neg3A = arith.constant 0.000000e+00 : f32
    %neg3A_11 = vector.broadcast %neg3A : f32 to vector<2048x128xf32>
    %neg3A_12 = arith.subf %neg3A_11, %dot_general3A_10 : vector<2048x128xf32>
    %exp3A = math.exp %neg3A_12 : vector<2048x128xf32>
    %add3A = arith.constant 1.000000e+00 : f32
    %add3A_13 = vector.broadcast %add3A : f32 to vector<2048x128xf32>
    %add3A_14 = arith.addf %add3A_13, %exp3A : vector<2048x128xf32>
    %div3A = arith.divf %dot_general3A_10, %add3A_14 : vector<2048x128xf32>
    %get3A_15 = arith.constant 0 : index
    %get3A_16 = arith.constant 0 : index
    %get3A_17 = vector.load %arg3[%get3A_15, %get3A_16] : memref<128x128xf32, #tpu.memory_space<vmem>>, vector<128x128xf32>
    %dot_general3A_18 = arith.constant dense<0.000000e+00> : vector<2048x128xf32>
    %dot_general3A_19 = tpu.matmul %div3A, %get3A_17, %dot_general3A_18 {dimension_numbers = #tpu.dot_dimension_numbers<[1], [0], [0], [1], [0, 0, 1, 1], [], []>, transpose_lhs_hint = false} : vector<2048x128xf32>, vector<128x128xf32>, vector<2048x128xf32> -> vector<2048x128xf32>
    %neg3A_20 = arith.constant 0.000000e+00 : f32
    %neg3A_21 = vector.broadcast %neg3A_20 : f32 to vector<2048x128xf32>
    %neg3A_22 = arith.subf %neg3A_21, %dot_general3A_19 : vector<2048x128xf32>
    %exp3A_23 = math.exp %neg3A_22 : vector<2048x128xf32>
    %add3A_24 = arith.constant 1.000000e+00 : f32
    %add3A_25 = vector.broadcast %add3A_24 : f32 to vector<2048x128xf32>
    %add3A_26 = arith.addf %add3A_25, %exp3A_23 : vector<2048x128xf32>
    %div3A_27 = arith.divf %dot_general3A_19, %add3A_26 : vector<2048x128xf32>
    %get3A_28 = arith.constant 0 : index
    %get3A_29 = arith.constant 0 : index
    %get3A_30 = vector.load %arg4[%get3A_28, %get3A_29] : memref<128x91xf32, #tpu.memory_space<vmem>>, vector<128x91xf32>
    %dot_general3A_31 = arith.constant dense<0.000000e+00> : vector<2048x91xf32>
    %dot_general3A_32 = tpu.matmul %div3A_27, %get3A_30, %dot_general3A_31 {dimension_numbers = #tpu.dot_dimension_numbers<[1], [0], [0], [1], [0, 0, 1, 1], [], []>, transpose_lhs_hint = false} : vector<2048x128xf32>, vector<128x91xf32>, vector<2048x91xf32> -> vector<2048x91xf32>
    %swap3A = arith.constant 0 : index
    %swap3A_33 = arith.constant 0 : index
    %swap3A_34 = vector.load %arg8[%swap3A, %swap3A_33] : memref<2048x91xf32, #tpu.memory_space<vmem>>, vector<2048x91xf32>
    tpu.vector_store %arg8[%swap3A, %swap3A_33], %dot_general3A_32 {strides = array<i32>} : memref<2048x91xf32, #tpu.memory_space<vmem>>, vector<2048x91xf32>,
    %reshape3A = vector.shape_cast %dot_general3A_32 : vector<2048x91xf32> to vector<64x32x91xf32>
    %reduce_max3A = arith.constant dense<0xFF800000> : vector<64x32xf32>
    %reduce_max3A_35 = vector.multi_reduction <maximumf>, %reshape3A, %reduce_max3A [2] : vector<64x32x91xf32> to vector<64x32xf32>
    %broadcast_in_dim3A = vector.shape_cast %reduce_max3A_35 : vector<64x32xf32> to vector<64x32x1xf32>
    %reduce_max3A_36 = arith.constant dense<0xFF800000> : vector<64x1xf32>
    %reduce_max3A_37 = vector.multi_reduction <maximumf>, %broadcast_in_dim3A, %reduce_max3A_36 [1] : vector<64x32x1xf32> to vector<64x1xf32>
    %broadcast_in_dim3A_38 = vector.shape_cast %reduce_max3A_37 : vector<64x1xf32> to vector<64x1x1xf32>
    %sub3A = vector.broadcast %broadcast_in_dim3A_38 : vector<64x1x1xf32> to vector<64x32x91xf32>
    %sub3A_39 = arith.subf %reshape3A, %sub3A : vector<64x32x91xf32>
    %exp3A_40 = math.exp %sub3A_39 : vector<64x32x91xf32>
    %reduce_sum3A = arith.constant dense<0.000000e+00> : vector<64x32xf32>
    %reduce_sum3A_41 = vector.multi_reduction <add>, %exp3A_40, %reduce_sum3A [2] : vector<64x32x91xf32> to vector<64x32xf32>
    %broadcast_in_dim3A_42 = vector.shape_cast %reduce_sum3A_41 : vector<64x32xf32> to vector<64x32x1xf32>
    %reduce_sum3A_43 = arith.constant dense<0.000000e+00> : vector<64x1xf32>
    %reduce_sum3A_44 = vector.multi_reduction <add>, %broadcast_in_dim3A_42, %reduce_sum3A_43 [1] : vector<64x32x1xf32> to vector<64x1xf32>
    %broadcast_in_dim3A_45 = vector.shape_cast %reduce_sum3A_44 : vector<64x1xf32> to vector<64x1x1xf32>
    %div3A_46 = vector.broadcast %broadcast_in_dim3A_45 : vector<64x1x1xf32> to vector<64x32x91xf32>
    %div3A_47 = arith.divf %exp3A_40, %div3A_46 : vector<64x32x91xf32>
    %reshape3A_48 = vector.shape_cast %div3A_47 : vector<64x32x91xf32> to vector<2048x91xf32>
    %swap3A_49 = arith.constant 0 : index
    %swap3A_50 = arith.constant 0 : index
    %swap3A_51 = vector.load %arg9[%swap3A_49, %swap3A_50] : memref<2048x91xf32, #tpu.memory_space<vmem>>, vector<2048x91xf32>
    tpu.vector_store %arg9[%swap3A_49, %swap3A_50], %reshape3A_48 {strides = array<i32>} : memref<2048x91xf32, #tpu.memory_space<vmem>>, vector<2048x91xf32>,
    %get3A_52 = arith.constant 0 : index
    %get3A_53 = arith.constant 0 : index
    %get3A_54 = vector.load %arg6[%get3A_52, %get3A_53] : memref<64x128xf32, #tpu.memory_space<vmem>>, vector<64x128xf32>
    %get3A_55 = arith.constant 0 : index
    %get3A_56 = arith.constant 0 : index
    %get3A_57 = vector.load %arg1[%get3A_55, %get3A_56] : memref<128x128xf32, #tpu.memory_space<vmem>>, vector<128x128xf32>
    %dot_general3A_58 = arith.constant dense<0.000000e+00> : vector<64x128xf32>
    %dot_general3A_59 = tpu.matmul %get3A_54, %get3A_57, %dot_general3A_58 {dimension_numbers = #tpu.dot_dimension_numbers<[1], [0], [0], [1], [0, 0, 1, 1], [], []>, transpose_lhs_hint = false} : vector<64x128xf32>, vector<128x128xf32>, vector<64x128xf32> -> vector<64x128xf32>
    %get3A_60 = arith.constant 0 : index
    %get3A_61 = arith.constant 0 : index
    %get3A_62 = vector.load %arg7[%get3A_60, %get3A_61] : memref<64x128xf32, #tpu.memory_space<vmem>>, vector<64x128xf32>
    %mul3A = arith.mulf %get3A_62, %dot_general3A_59 : vector<64x128xf32>
    %get3A_63 = arith.constant 0 : index
    %get3A_64 = arith.constant 0 : index
    %get3A_65 = vector.load %arg5[%get3A_63, %get3A_64] : memref<128x1600xf32, #tpu.memory_space<vmem>>, vector<128x1600xf32>
    %dot_general3A_66 = arith.constant dense<0.000000e+00> : vector<64x1600xf32>
    %dot_general3A_67 = tpu.matmul %mul3A, %get3A_65, %dot_general3A_66 {dimension_numbers = #tpu.dot_dimension_numbers<[1], [0], [0], [1], [0, 0, 1, 1], [], []>, transpose_lhs_hint = false} : vector<64x128xf32>, vector<128x1600xf32>, vector<64x1600xf32> -> vector<64x1600xf32>
    %swap3A_68 = arith.constant 0 : index
    %swap3A_69 = arith.constant 0 : index
    %swap3A_70 = vector.load %arg10[%swap3A_68, %swap3A_69] : memref<64x1600xf32, #tpu.memory_space<vmem>>, vector<64x1600xf32>
    tpu.vector_store %arg10[%swap3A_68, %swap3A_69], %dot_general3A_67 {strides = array<i32>} : memref<64x1600xf32, #tpu.memory_space<vmem>>, vector<64x1600xf32>,
    return
  }
}

module attributes {stable_mosaic.version = 14 : i64} {
  func.func @_pos_body(%arg0: i32, %arg1: memref<2x64x25xf32, #tpu.memory_space<vmem>>, %arg2: memref<5120x128xf32, #tpu.memory_space<vmem>>, %arg3: memref<5120x25xf32, #tpu.memory_space<vmem>>, %arg4: memref<25x207xbf16, #tpu.memory_space<vmem>>, %arg5: memref<25x79xbf16, #tpu.memory_space<vmem>>, %arg6: memref<2x2560x79xf32, #tpu.memory_space<vmem>>, %arg7: memref<2x2560x79xf32, #tpu.memory_space<vmem>>) attributes {dimension_semantics = [#tpu.dimension_semantics<arbitrary>], iteration_bounds = array<i64: 32>, scalar_prefetch = 0 : i64, scratch_operands = 0 : i64, tpu.core_type = #tpu.core_type<tc>, window_params = [{transform_indices = @transform_0, window_bounds = array<i64: 2, 64, 25>}, {pipeline_mode = #tpu.pipeline_mode<synchronous>, transform_indices = @transform_1, window_bounds = array<i64: 5120, 128>}, {pipeline_mode = #tpu.pipeline_mode<synchronous>, transform_indices = @transform_2, window_bounds = array<i64: 5120, 25>}, {pipeline_mode = #tpu.pipeline_mode<synchronous>, transform_indices = @transform_3, window_bounds = array<i64: 25, 207>}, {pipeline_mode = #tpu.pipeline_mode<synchronous>, transform_indices = @transform_4, window_bounds = array<i64: 25, 79>}, {transform_indices = @transform_5, window_bounds = array<i64: 2, 2560, 79>}, {transform_indices = @transform_6, window_bounds = array<i64: 2, 2560, 79>}]} {
    %get3A = arith.constant 0 : index
    %get3A_0 = arith.constant 0 : index
    %get3A_1 = arith.constant 0 : index
    %get3A_2 = vector.load %arg1[%get3A, %get3A_0, %get3A_1] : memref<2x64x25xf32, #tpu.memory_space<vmem>>, vector<2x64x25xf32>
    %reshape3A = vector.shape_cast %get3A_2 : vector<2x64x25xf32> to vector<128x25xf32>
    %get3A_3 = arith.constant 0 : index
    %get3A_4 = arith.constant 0 : index
    %get3A_5 = vector.load %arg2[%get3A_3, %get3A_4] : memref<5120x128xf32, #tpu.memory_space<vmem>>, vector<5120x128xf32>
    %dot_general3A = arith.constant dense<0.000000e+00> : vector<5120x25xf32>
    %dot_general3A_6 = tpu.matmul %get3A_5, %reshape3A, %dot_general3A {dimension_numbers = #tpu.dot_dimension_numbers<[1], [0], [0], [1], [0, 0, 1, 1], [], []>, transpose_lhs_hint = false} : vector<5120x128xf32>, vector<128x25xf32>, vector<5120x25xf32> -> vector<5120x25xf32>
    %get3A_7 = arith.constant 0 : index
    %get3A_8 = arith.constant 0 : index
    %get3A_9 = vector.load %arg3[%get3A_7, %get3A_8] : memref<5120x25xf32, #tpu.memory_space<vmem>>, vector<5120x25xf32>
    %mul3A = arith.mulf %dot_general3A_6, %get3A_9 : vector<5120x25xf32>
    %convert_element_type3A = arith.truncf %mul3A : vector<5120x25xf32> to vector<5120x25xbf16>
    %convert_element_type3A_10 = arith.extf %convert_element_type3A : vector<5120x25xbf16> to vector<5120x25xf32>
    %sub3A = arith.subf %mul3A, %convert_element_type3A_10 : vector<5120x25xf32>
    %convert_element_type3A_11 = arith.truncf %sub3A : vector<5120x25xf32> to vector<5120x25xbf16>
    %get3A_12 = arith.constant 0 : index
    %get3A_13 = arith.constant 0 : index
    %get3A_14 = vector.load %arg4[%get3A_12, %get3A_13] : memref<25x207xbf16, #tpu.memory_space<vmem>>, vector<25x207xbf16>
    %dot_general3A_15 = arith.constant dense<0.000000e+00> : vector<5120x207xf32>
    %dot_general3A_16 = tpu.matmul %convert_element_type3A, %get3A_14, %dot_general3A_15 {dimension_numbers = #tpu.dot_dimension_numbers<[1], [0], [0], [1], [0, 0, 1, 1], [], []>, transpose_lhs_hint = false} : vector<5120x25xbf16>, vector<25x207xbf16>, vector<5120x207xf32> -> vector<5120x207xf32>
    %get3A_17 = arith.constant 0 : index
    %get3A_18 = arith.constant 0 : index
    %get3A_19 = vector.load %arg5[%get3A_17, %get3A_18] : memref<25x79xbf16, #tpu.memory_space<vmem>>, vector<25x79xbf16>
    %dot_general3A_20 = arith.constant dense<0.000000e+00> : vector<5120x79xf32>
    %dot_general3A_21 = tpu.matmul %convert_element_type3A_11, %get3A_19, %dot_general3A_20 {dimension_numbers = #tpu.dot_dimension_numbers<[1], [0], [0], [1], [0, 0, 1, 1], [], []>, transpose_lhs_hint = false} : vector<5120x25xbf16>, vector<25x79xbf16>, vector<5120x79xf32> -> vector<5120x79xf32>
    %slice3A = vector.extract_strided_slice %dot_general3A_16 {offsets = [0, 0], sizes = [5120, 79], strides = [1, 1]} : vector<5120x207xf32> to vector<5120x79xf32>
    %slice3A_22 = vector.extract_strided_slice %dot_general3A_16 {offsets = [0, 128], sizes = [5120, 79], strides = [1, 1]} : vector<5120x207xf32> to vector<5120x79xf32>
    %add3A = arith.addf %slice3A, %slice3A_22 : vector<5120x79xf32>
    %add3A_23 = arith.addf %add3A, %dot_general3A_21 : vector<5120x79xf32>
    %reshape3A_24 = vector.shape_cast %add3A_23 : vector<5120x79xf32> to vector<2x2560x79xf32>
    %reduce_max3A = arith.constant dense<0xFF800000> : vector<2x79xf32>
    %reduce_max3A_25 = vector.multi_reduction <maximumf>, %reshape3A_24, %reduce_max3A [1] : vector<2x2560x79xf32> to vector<2x79xf32>
    %broadcast_in_dim3A = vector.shape_cast %reduce_max3A_25 : vector<2x79xf32> to vector<2x1x79xf32>
    %reduce_max3A_26 = arith.constant dense<0xFF800000> : vector<2x1xf32>
    %reduce_max3A_27 = vector.multi_reduction <maximumf>, %broadcast_in_dim3A, %reduce_max3A_26 [2] : vector<2x1x79xf32> to vector<2x1xf32>
    %broadcast_in_dim3A_28 = vector.shape_cast %reduce_max3A_27 : vector<2x1xf32> to vector<2x1x1xf32>
    %swap3A = arith.constant 0 : index
    %swap3A_29 = arith.constant 0 : index
    %swap3A_30 = arith.constant 0 : index
    %swap3A_31 = vector.load %arg6[%swap3A, %swap3A_29, %swap3A_30] : memref<2x2560x79xf32, #tpu.memory_space<vmem>>, vector<2x2560x79xf32>
    tpu.vector_store %arg6[%swap3A, %swap3A_29, %swap3A_30], %reshape3A_24 {strides = array<i32>} : memref<2x2560x79xf32, #tpu.memory_space<vmem>>, vector<2x2560x79xf32>,
    %sub3A_32 = vector.broadcast %broadcast_in_dim3A_28 : vector<2x1x1xf32> to vector<2x2560x79xf32>
    %sub3A_33 = arith.subf %reshape3A_24, %sub3A_32 : vector<2x2560x79xf32>
    %exp3A = math.exp %sub3A_33 : vector<2x2560x79xf32>
    %swap3A_34 = arith.constant 0 : index
    %swap3A_35 = arith.constant 0 : index
    %swap3A_36 = arith.constant 0 : index
    %swap3A_37 = vector.load %arg7[%swap3A_34, %swap3A_35, %swap3A_36] : memref<2x2560x79xf32, #tpu.memory_space<vmem>>, vector<2x2560x79xf32>
    tpu.vector_store %arg7[%swap3A_34, %swap3A_35, %swap3A_36], %exp3A {strides = array<i32>} : memref<2x2560x79xf32, #tpu.memory_space<vmem>>, vector<2x2560x79xf32>,
    return
  }
  func.func @transform_0(%arg0: i32) -> (i32, i32, i32) {
    %c0_i32 = arith.constant 0 : i32
    %c0_i32_0 = arith.constant 0 : i32
    %c0_i32_1 = arith.constant 0 : i32
    return %arg0, %c0_i32, %c0_i32_0 : i32, i32, i32
  }
  func.func @transform_1(%arg0: i32) -> (i32, i32) {
    %c0_i32 = arith.constant 0 : i32
    %c0_i32_0 = arith.constant 0 : i32
    %c0_i32_1 = arith.constant 0 : i32
    return %c0_i32, %c0_i32_0 : i32, i32
  }
  func.func @transform_2(%arg0: i32) -> (i32, i32) {
    %c0_i32 = arith.constant 0 : i32
    %c0_i32_0 = arith.constant 0 : i32
    %c0_i32_1 = arith.constant 0 : i32
    return %c0_i32, %c0_i32_0 : i32, i32
  }
  func.func @transform_3(%arg0: i32) -> (i32, i32) {
    %c0_i32 = arith.constant 0 : i32
    %c0_i32_0 = arith.constant 0 : i32
    %c0_i32_1 = arith.constant 0 : i32
    return %c0_i32, %c0_i32_0 : i32, i32
  }
  func.func @transform_4(%arg0: i32) -> (i32, i32) {
    %c0_i32 = arith.constant 0 : i32
    %c0_i32_0 = arith.constant 0 : i32
    %c0_i32_1 = arith.constant 0 : i32
    return %c0_i32, %c0_i32_0 : i32, i32
  }
  func.func @transform_5(%arg0: i32) -> (i32, i32, i32) {
    %c0_i32 = arith.constant 0 : i32
    %c0_i32_0 = arith.constant 0 : i32
    %c0_i32_1 = arith.constant 0 : i32
    return %arg0, %c0_i32, %c0_i32_0 : i32, i32, i32
  }
  func.func @transform_6(%arg0: i32) -> (i32, i32, i32) {
    %c0_i32 = arith.constant 0 : i32
    %c0_i32_0 = arith.constant 0 : i32
    %c0_i32_1 = arith.constant 0 : i32
    return %arg0, %c0_i32, %c0_i32_0 : i32, i32, i32
  }
}

</mosaic_0001>

<sc_bundles>
// kernel: kernel.5.cloned.1.call-start
scs
__scs_entry_jumppad:
0x0: {  	(pc) =	sbr.rel $0x88, $3  }
0x1: {  	(tag) =	ssettag $0x0;
	lr =	simm.s32 $0x1  }
0x2: {  	[smem:$0x3F98] =	sst lr;
	_ =	strace $0xD0000000  }
0x3: {  	_ = 	snop  }
0x4: {  	_ = 	snop  }
0x5: {  	_ = 	snop  }
0x6: {  	_ = 	snop  }
0x7: {  	_ = 	snop  }
__scs_overlays_trampoline_lowered:
0x8: {  	[smem:$0x3FA7] =	sst s0  }
0x9: {  	[smem:$0x3FA8] =	sst s1  }
0xa: {  	[smem:$0x3FA9] =	sst s2  }
0xb: {  	[smem:$0x3FAA] =	sst s3  }
0xc: {  	[smem:$0x3FAB] =	sst s4  }
0xd: {  	[smem:$0x3FAC] =	sst s5  }
0xe: {  	[smem:$0x3FAD] =	sst s6  }
0xf: {  	[smem:$0x3FAE] =	sst s7  }
0x10: {  	[smem:$0x3FAF] =	sst s8  }
0x11: {  	[smem:$0x3FB0] =	sst s9;
	s0 =	simm.s32 @!p0 $0x0  }
0x12: {  	s1 =	sld [smem:$0x3F96];
	s0 =	simm.s32 @p0 $0x1  }
0x13: {  	[smem:$0x3FB1] =	sst s0;
	s0 =	simm.s32 @!p1 $0x0  }
0x14: {  	s2 =	sld [smem:$0x3F95];
	s0 =	simm.s32 @p1 $0x1  }
0x15: {  	[smem:$0x3FB2] =	sst s0;
	s0 =	simm.s32 @!p2 $0x0  }
0x16: {  	s3 =	sld [smem:$0x3FDB];
	s0 =	simm.s32 @p2 $0x1  }
0x17: {  	s4 =	simm.s32 $0x1BF5;
	[smem:$0x3FB4] =	sst s0  }
0x18: {  	s0 =	sld [smem:$0x3F97];
	_ =	swait.ge [sflag:s4], $0x0  }
0x19: {  	s7 =	sld [smem:$0x3F98]  }
0x1a: {  	s8 =	sadd.s32 $0xFFFFE003, lr  }
0x1b: {  	s9 =	sadd.s32 $0xFFFFFEF7, lr;
	s5 =	simm.s32 $0xFFFFFFFF;
	p2 =	slt.u32 s8, $0xFFFFF086  }
0x1c: {  	p1 =	slt.u32 s9, $0xF7A;
	s5 =	simm.s32 @!p2 $0x0  }
0x1d: {  	s5 =	simm.s32 @p1 $0x1;
	p0 =	seq.s32 s7, s2  }
0x1e: {  	s7 =	smul.u32 @!p0 $0xF7A, s2;
	p2 =	seq.s32 @!p0 s5, $0x0  }
0x1f: {  	s9 =	smul.u32 $0xF7A, s1;
	s8 =	simm.s32 @!p0 $0x1BF5;
	p2 =	por !p2, p0  }
0x20: {  	[sflag:s8] =	ssyncset.s32 @!p0 $0xFFFFF086;
	s6 =	sadd.s32 @!p0 s3, s7;
	s7 =	simm.s32 @!p0 $0x108  }
0x21: {  	s3 =	sadd.s32 s3, s9;
	s6 =	sadd.s32 @!p0 $0x88, s6;
	s7 =	simm.s32 @p2 $0x1082  }
0x22: {  	[simem:s7], [sflag:s8] =	dma.local @!p0 [hbm:s6], $0xF7A  }
0x23: {  	s9 =	sor.u32 $0xD0000000, s2;
	s6 =	simm.s32 $0x108;
	_ =	swait.ge @!p0 [sflag:s8], $0x0  }
0x24: {  	s3 =	sadd.s32 $0x88, s3;
	s6 =	simm.s32 @!p1 $0x1082;
	[sflag:s4] =	ssyncset.s32 $0xFFFFF086  }
0x25: {  	[simem:s6], [sflag:s4] =	dma.local [hbm:s3], $0xF7A  }
0x26: {  	[smem:$0x3F98] =	sst s1;
	(tag) =	ssettag s2;
	_ =	strace s9  }
0x27: {  	s1 =	sld [smem:$0x3FA8]  }
0x28: {  	s2 =	sld [smem:$0x3FA9]  }
0x29: {  	s4 =	sld [smem:$0x3FAB]  }
0x2a: {  	p0 =	seq.s32 s5, $0x0;
	s5 =	sld [smem:$0x3FAC]  }
0x2b: {  	s6 =	sld [smem:$0x3FAD]  }
0x2c: {  	s7 =	sld [smem:$0x3FAE]  }
0x2d: {  	s3 =	simm.s32 $0x108;
	s8 =	sld [smem:$0x3FAF]  }
0x2e: {  	s3 =	simm.s32 @!p0 $0x1082;
	s9 =	sld [smem:$0x3FB0]  }
0x2f: {  	lr =	sadd.s32 s0, s3;
	s0 =	sld [smem:$0x3FA7]  }
0x30: {  	s3 =	sld [smem:$0x3FAA]  }
0x31: {  	[smem:$0x3FB3] =	sst s10  }
0x32: {  	s10 =	sld [smem:$0x3FB1];
	_ =	sdelay $0x3  }
0x33: {  	p0 =	seq.s32 s10, $0x1;
	s10 =	sld [smem:$0x3FB3];
	_ =	sdelay $0x3  }
0x34: {  	[smem:$0x3FB3] =	sst s10  }
0x35: {  	s10 =	sld [smem:$0x3FB2];
	_ =	sdelay $0x3  }
0x36: {  	p1 =	seq.s32 s10, $0x1;
	s10 =	sld [smem:$0x3FB3];
	_ =	sdelay $0x3  }
0x37: {  	[smem:$0x3FB3] =	sst s10  }
0x38: {  	s10 =	sld [smem:$0x3FB4]  }
0x39: {  	_ = 	snop;
	(pc) =	sbr.ind lr, $3  }
0x3a: {  	_ = 	snop  }
0x3b: {  	_ = 	snop  }
0x3c: {  	p2 =	seq.s32 s10, $0x1;
	s10 =	sld [smem:$0x3FB3]  }
0x3d: {  	_ =	shalt  }
0x3e: {  	_ =	shalt  }
0x3f: {  	_ =	shalt  }
0x40: {  	_ =	shalt  }
0x41: {  	_ =	shalt  }
0x42: {  	_ =	shalt  }
0x43: {  	_ =	shalt  }
0x44: {  	_ =	shalt  }
0x45: {  	_ =	shalt  }
0x46: {  	_ =	shalt  }
0x47: {  	_ =	shalt  }
0x48: {  	_ =	shalt  }
0x49: {  	_ =	shalt  }
0x4a: {  	_ =	shalt  }
0x4b: {  	_ =	shalt  }
0x4c: {  	_ =	shalt  }
0x4d: {  	_ =	shalt  }
0x4e: {  	_ =	shalt  }
0x4f: {  	_ =	shalt  }
0x50: {  	_ =	shalt  }
0x51: {  	_ =	shalt  }
0x52: {  	_ =	shalt  }
0x53: {  	_ =	shalt  }
0x54: {  	_ =	shalt  }
0x55: {  	_ =	shalt  }
0x56: {  	_ =	shalt  }
0x57: {  	_ =	shalt  }
0x58: {  	_ =	shalt  }
0x59: {  	_ =	shalt  }
0x5a: {  	_ =	shalt  }
0x5b: {  	_ =	shalt  }
0x5c: {  	_ =	shalt  }
0x5d: {  	_ =	shalt  }
0x5e: {  	_ =	shalt  }
0x5f: {  	_ =	shalt  }
0x60: {  	_ =	shalt  }
0x61: {  	_ =	shalt  }
0x62: {  	_ =	shalt  }
0x63: {  	_ =	shalt  }
0x64: {  	_ =	shalt  }
0x65: {  	_ =	shalt  }
0x66: {  	_ =	shalt  }
0x67: {  	_ =	shalt  }
0x68: {  	_ =	shalt  }
0x69: {  	_ =	shalt  }
0x6a: {  	_ =	shalt  }
0x6b: {  	_ =	shalt  }
0x6c: {  	_ =	shalt  }
0x6d: {  	_ =	shalt  }
0x6e: {  	_ =	shalt  }
0x6f: {  	_ =	shalt  }
0x70: {  	_ =	shalt  }
0x71: {  	_ =	shalt  }
0x72: {  	_ =	shalt  }
0x73: {  	_ =	shalt  }
0x74: {  	_ =	shalt  }
0x75: {  	_ =	shalt  }
0x76: {  	_ =	shalt  }
0x77: {  	_ =	shalt  }
0x78: {  	_ =	shalt  }
0x79: {  	_ =	shalt  }
0x7a: {  	_ =	shalt  }
0x7b: {  	_ =	shalt  }
0x7c: {  	_ =	shalt  }
0x7d: {  	_ =	shalt  }
0x7e: {  	_ =	shalt  }
0x7f: {  	_ =	shalt  }
0x80: {  	_ =	shalt  }
0x81: {  	_ =	shalt  }
0x82: {  	_ =	shalt  }
0x83: {  	_ =	shalt  }
0x84: {  	_ =	shalt  }
0x85: {  	_ =	shalt  }
0x86: {  	_ =	shalt  }
0x87: {  	_ =	shalt  }
.Lfunc_end0:
.L_simem_size_0:
called_computation_lowered:
.L_overlay_start_0:
0x88: {  	s2 =	sld [smem:$0x3FD9]  }
0x89: {  	s3 =	sld [smem:$0x3FFE];
	_ =	sdelay $0x1  }
0x8a: {  	s1 =	srdreg.scid  }
0x8b: {  	s0 =	sand.u32 $0x1, s1  }
0x8c: {  	s15 =	sshll.u32 s0, $0xA;
	s2 =	sadd.s32 s3, s2  }
0x8d: {  	s2 =	sadd.s32 s2, s15  }
0x8e: {  	[smem:$0x3FBF] =	sst s2  }
0x8f: {  	_ = 	snop  }
0x90: {  	s2 =	sld [smem:$0x3FD0]  }
0x91: {  	s16 =	sld [smem:$0x3FC9]  }
0x92: {  	s4 =	sld [smem:$0x3FC4]  }
0x93: {  	s6 =	simm.s32 $0xA;
	s7 =	simm.s32 $0x10;
	s5 =	sld [smem:$0x3FC1]  }
0x94: {  	[smem:s7], [sflag:s6] =	dma.local [hbm:s2], $0x1  }
0x95: {  	_ =	swait.eq [sflag:s6], $0x1  }
0x96: {  	s17 =	sld [smem:$0x10];
	[sflag:s6] =	ssyncset.done $0x0  }
0x97: {  	s18 =	sld [smem:$0x11];
	[sflag:s6] =	ssyncadd.s32 $0xFFFFFFFF  }
0x98: {  	s19 =	sld [smem:$0x15];
	(tm) =	ssettm $0x1  }
0x99: {  	s8 =	sld [smem:$0x3FFB];
	_ =	sdelay $0x3  }
0x9a: {  	_ =	strace s8  }
0x9b: {  	s8 =	sld [smem:$0x3FFC];
	_ =	sdelay $0x3  }
0x9c: {  	_ =	strace s8  }
0x9d: {  	s8 =	sld [smem:$0x3FFD];
	_ =	sdelay $0x3  }
0x9e: {  	_ =	strace s8  }
0x9f: {  	_ =	strace $0x8FFFFFFF  }
0xa0: {  	s20 =	sld [smem:$0x3FDB];
	_ =	sdelay $0x1  }
0xa1: {  	s9 =	simm.s32 $_scs_section_size  }
0xa2: {  	s10 =	simm.s32 $_size__tile_overlayer_lowered;
	s11 =	simm.s32 $_tile_overlayer_lowered  }
0xa3: {  	s23 =	simm.s32 $0x1BFF;
	s22 =	sshll.u32 s11, $0x1;
	s8 =	sadd.s32 s9, s20  }
0xa4: {  	s12 =	simm.s32 $0x0;
	s21 =	sshll.u32 s10, $0x1;
	s10 =	sadd.s32 s22, s8  }
0xa5: {  	[timem:s12], [sflag:s23] =	dma.local [hbm:s10], s21  }
0xa6: {  	_ =	swait.ge [sflag:s23], s21  }
0xa7: {  	s9 =	ssub.s32 $0x0, s21;
	[sflag:s23] =	ssyncset.done $0x0  }
0xa8: {  	[sflag:s23] =	ssyncadd.s32 s9;
	_ =	sdelay $0x1  }
0xa9: {  	s24 =	simm.s32 $0x1B8B  }
0xaa: {  	_ =	swait.ge [sflag:s24], $0x1  }
0xab: {  	[sflag:s24] =	ssyncset.done $0x0  }
0xac: {  	s25 =	simm.s32 $0x1B8E;
	[sflag:s24] =	ssyncadd.s32 $0xFFFFFFFF  }
0xad: {  	s26 =	simm.s32 $execute0_lowered;
	[smem:$0x3FD2] =	sst s25  }
0xae: {  	s9 =	sshll.u32 s26, $0x1;
	_ =	strace $0x80000046;
	[dreg:$0x1] =	wrdreg $0xFFFFFFFF  }
0xaf: {  	s28 =	simm.s32 $_size_execute0_lowered;
	s8 =	sadd.s32 s8, s9;
	[dreg:$0x0] =	wrdreg $0x0  }
0xb0: {  	s9 =	sshll.u32 s28, $0x1;
	[dreg:$0x2] =	wrdreg s8  }
0xb1: {  	[dreg:$0x3] =	wrdreg s9  }
0xb2: {  	[dreg:$0x4] =	wrdreg $0xC0  }
0xb3: {  	_ =	task [dreg:s12], $0x5FFFF  }
0xb4: {  	[dreg:$0x1] =	wrdreg $0xFFFFFFFF  }
0xb5: {  	[dreg:$0x0] =	wrdreg $0x60  }
0xb6: {  	[dreg:$0x2] =	wrdreg s16  }
0xb7: {  	[dreg:$0x3] =	wrdreg s4  }
0xb8: {  	[dreg:$0x4] =	wrdreg s19  }
0xb9: {  	[dreg:$0x5] =	wrdreg s5  }
0xba: {  	[dreg:$0x6] =	wrdreg s18  }
0xbb: {  	[dreg:$0x7] =	wrdreg s17  }
0xbc: {  	[dreg:$0x8] =	wrdreg $0x9  }
0xbd: {  	_ =	task.clear_ibuf [dreg:s12], $0x9FFFF;
	_ =	strace $0x90000046  }
0xbe: {  	s29 =	simm.s32 $0x9;
	_ =	strace $0x80000048  }
0xbf: {  	_ =	swait.ge [sflag:s29], $0x1  }
0xc0: {  	[sflag:s29] =	ssyncadd.s32 $0xFFFFFFFF  }
0xc1: {  	_ =	strace $0x90000048  }
0xc2: {  	_ =	sfence  }
0xc3: {  	s30 =	sld [smem:$0x0];
	_ =	sdelay $0x2  }
0xc4: {  	s31 =	sshll.u32 s1, $0xD;
	s1 =	sshrl.u32 s1, $0x2  }
0xc5: {  	s3 =	sand.u32 $0x4000, s31;
	s1 =	sadd.s32 s1, s30  }
0xc6: {  	s0 =	sor.u32 s3, s0;
	s1 =	sshll.u32 s1, $0x11  }
0xc7: {  	s0 =	sor.u32 s1, s0  }
0xc8: {  	s0 =	sadd.s32 $0x8F2B, s0  }
0xc9: {  	[sflag:s0] =	ssyncadd.remote.s32 $0x1  }
0xca: {  	_ =	sfence.sel $0xFFFF  }
0xcb: {  	[dreg:$0x0] =	wrdreg $0xFFFFFFFF;
	(pc) =	sbr.abs _section_cstart, $3  }
0xcc: {  	[dreg:$0x1] =	wrdreg $0xFFFFFFFF  }
0xcd: {  	_ =	task.clear_ibuf [dreg:s12], $0x2FFFF;
	_ =	strace $0x9FFFFFFF  }
0xce: {  	(tm) =	ssettm $0x7FFFFFFF  }
0xcf: {  	_ =	shalt  }
tec
execute0_lowered:
.L_overlay_start_1:
0x0: {  	(tag) =	ssettag $0x1  }
0x1: {  	s0 =	srdreg.scid  }
0x2: {  	s8 =	sand.u32 $0x1, s0  }
0x3: {  	s2 =	ssub.s32 $0x2, s8  }
0x4: {  	s9 =	sshrl.u32 s2, $0x1  }
0x5: {  	s5 =	rddreg [dreg:$0x0];
	s9 =	ssub.s32 s2, s9  }
0x6: {  	s1 =	rddreg [dreg:$0x1];
	s9 =	smax.u32 s9, $0x1  }
0x7: {  	s7 =	rddreg [dreg:$0x2];
	s18 =	sadd.s32 $0xFFFFFFFF, s9  }
0x8: {  	s4 =	rddreg [dreg:$0x3];
	p3 =	sne.s32 s18, $0x0  }
.Ltmp0:
0x9: {  	s6 =	rddreg [dreg:$0x4];
	(pc) =	sbr.rel @!p3 .LBB2_3-.Ltmp0, $4  }
0xa: {  	s3 =	rddreg [dreg:$0x5];
	s2 =	stileid.u32  }
0xb: {  	p2 =	por $0x0, $0x0;
	p1 =	seq.s32 s8, $0x1;
	p0 =	seq.s32 s2, $0x0  }
0xc: {  	s0 =	rddreg [dreg:$0x6];
	s8 =	sor.u32 s2, s8;
	p0 =	por !p0, !p1  }
0xd: {  	_ =	strace $0x80000047;
	p1 =	sne.s32 s8, $0x0;
	p0 =	por !p0, !p0  }
0xe: {  	s8 =	simm.s32 @!p1 $0x0;
	s9 =	simm.s32 @!p1 $0x2  }
0xf: {  	[tilespmem:s8], [sflag:$0x2] =	stream.linear.gather @!p1 [hbm4b:s7+s8], $0x80, $0x38;
	[tilespmem:$0x4080] =	vst v63  }
0x10: {  	_ =	swait.ge @!p1 [sflag:s9], $0x80  }
0x11: {  	s10 =	simm.s32 @!p1 $0x1;
	[sflag:s9] =	ssyncset.done @!p1 $0x0  }
0x12: {  	s11 =	simm.s32 @!p1 $0x40;
	s12 =	simm.s32 @!p1 $0x80;
	[sflag:s9] =	ssyncadd.s32 @!p1 $0xFFFFFF80  }
0x13: {  	[tilespmem:s12], [sflag:$0x1] =	stream.indirect.gather @!p1 [hbm4b:s5+s11], $0x80, s8, s11, $0xb8;
	[tilespmem:$0x4080] =	vst v63  }
0x14: {  	_ =	swait.ge @!p1 [sflag:s10], $0x2000  }
0x15: {  	[sflag:s10] =	ssyncset.done @!p1 $0x0  }
0x16: {  	[sflag:s10] =	ssyncadd.s32 @!p1 $0xFFFFE000  }
0x17: {  	[hbm4b:s6+s8] =	stream.linear.scatter @!p1 [tilespmem:s12], [sflag:$0x2], $0x2000, $0x38;
	[tilespmem:$0x4080] =	vst v63  }
0x18: {  	_ =	swait.ge @!p1 [sflag:s9], $0x2000  }
0x19: {  	[sflag:s9] =	ssyncset.done @!p1 $0x0  }
0x1a: {  	s14 =	simm.s32 @p0 $0x0;
	s13 =	simm.s32 @p0 $0x2;
	[sflag:s9] =	ssyncadd.s32 @!p1 $0xFFFFE000  }
0x1b: {  	[tilespmem:s14], [sflag:$0x2] =	stream.linear.gather @p0 [hbm4b:s4+s14], $0x80, $0x38;
	[tilespmem:$0x4080] =	vst v63  }
0x1c: {  	_ =	swait.ge @p0 [sflag:s13], $0x80  }
0x1d: {  	s15 =	simm.s32 @p0 $0x1;
	s16 =	simm.s32 @p0 $0x40;
	[sflag:s13] =	ssyncset.done @p0 $0x0  }
0x1e: {  	s17 =	simm.s32 @p0 $0x2080;
	s18 =	sadd.s32 $0xFFFFFFFF, s18;
	[sflag:s13] =	ssyncadd.s32 @p0 $0xFFFFFF80  }
0x1f: {  	[tilespmem:s17], [sflag:$0x1] =	stream.indirect.gather @p0 [hbm4b:s1+s16], $0x80, s14, s16, $0xb8;
	[tilespmem:$0x4080] =	vst v63  }
0x20: {  	p3 =	sne.s32 s18, $0x0;
	_ =	swait.ge @p0 [sflag:s15], $0x2000  }
.Ltmp1:
0x21: {  	[sflag:s15] =	ssyncset.done @p0 $0x0;
	(pc) =	sbr.rel @!p3 .LBB2_3-.Ltmp1, $4  }
0x22: {  	[sflag:s15] =	ssyncadd.s32 @p0 $0xFFFFE000  }
0x23: {  	[hbm4b:s3+s14] =	stream.linear.scatter @p0 [tilespmem:s17], [sflag:$0x2], $0x2000, $0x38;
	[tilespmem:$0x4080] =	vst v63  }
0x24: {  	_ =	swait.ge @p0 [sflag:s13], $0x2000  }
0x25: {  	p2 =	por $0x1, $0x1;
	[sflag:s13] =	ssyncset.done @p0 $0x0  }
.LBB2_2:
0x26: {  	[sflag:s13] =	ssyncadd.s32 @p0 $0xFFFFE000  }
0x27: {  	[tilespmem:s8], [sflag:$0x2] =	stream.linear.gather @!p1 [hbm4b:s7+s8], $0x80, $0x38;
	[tilespmem:$0x4080] =	vst v63  }
0x28: {  	s18 =	sadd.s32 $0xFFFFFFFF, s18;
	_ =	swait.ge @!p1 [sflag:s9], $0x80  }
0x29: {  	p3 =	sne.s32 s18, $0x0;
	[sflag:s9] =	ssyncset.done @!p1 $0x0  }
0x2a: {  	[sflag:s9] =	ssyncadd.s32 @!p1 $0xFFFFFF80  }
0x2b: {  	[tilespmem:s12], [sflag:$0x1] =	stream.indirect.gather @!p1 [hbm4b:s5+s11], $0x80, s8, s11, $0xb8;
	[tilespmem:$0x4080] =	vst v63  }
0x2c: {  	_ =	swait.ge @!p1 [sflag:s10], $0x2000  }
0x2d: {  	[sflag:s10] =	ssyncset.done @!p1 $0x0  }
0x2e: {  	[sflag:s10] =	ssyncadd.s32 @!p1 $0xFFFFE000  }
0x2f: {  	[hbm4b:s6+s8] =	stream.linear.scatter @!p1 [tilespmem:s12], [sflag:$0x2], $0x2000, $0x38;
	[tilespmem:$0x4080] =	vst v63  }
0x30: {  	_ =	swait.ge @!p1 [sflag:s9], $0x2000  }
0x31: {  	[sflag:s9] =	ssyncset.done @!p1 $0x0  }
0x32: {  	[sflag:s9] =	ssyncadd.s32 @!p1 $0xFFFFE000  }
0x33: {  	[tilespmem:s14], [sflag:$0x2] =	stream.linear.gather @p0 [hbm4b:s4+s14], $0x80, $0x38;
	[tilespmem:$0x4080] =	vst v63  }
0x34: {  	_ =	swait.ge @p0 [sflag:s13], $0x80  }
0x35: {  	[sflag:s13] =	ssyncset.done @p0 $0x0  }
0x36: {  	[sflag:s13] =	ssyncadd.s32 @p0 $0xFFFFFF80  }
0x37: {  	[tilespmem:s17], [sflag:$0x1] =	stream.indirect.gather @p0 [hbm4b:s1+s16], $0x80, s14, s16, $0xb8;
	[tilespmem:$0x4080] =	vst v63  }
0x38: {  	_ =	swait.ge @p0 [sflag:s15], $0x2000  }
.Ltmp2:
0x39: {  	[sflag:s15] =	ssyncset.done @p0 $0x0;
	(pc) =	sbr.rel @p3 .LBB2_2-.Ltmp2, $4  }
0x3a: {  	[sflag:s15] =	ssyncadd.s32 @p0 $0xFFFFE000  }
0x3b: {  	[hbm4b:s3+s14] =	stream.linear.scatter @p0 [tilespmem:s17], [sflag:$0x2], $0x2000, $0x38;
	[tilespmem:$0x4080] =	vst v63  }
0x3c: {  	_ =	swait.ge @p0 [sflag:s13], $0x2000  }
0x3d: {  	[sflag:s13] =	ssyncset.done @p0 $0x0  }
.LBB2_3:
0x3e: {  	p2 =	por !p0, !p2  }
0x3f: {  	s8 =	simm.s32 @!p1 $0x0;
	s9 =	simm.s32 @!p1 $0x2;
	[sflag:s13] =	ssyncadd.s32 @!p2 $0xFFFFE000  }
0x40: {  	[tilespmem:s8], [sflag:$0x2] =	stream.linear.gather @!p1 [hbm4b:s7+s8], $0x80, $0x38;
	[tilespmem:$0x4080] =	vst v63  }
0x41: {  	_ =	swait.ge @!p1 [sflag:s9], $0x80  }
0x42: {  	s10 =	simm.s32 @!p1 $0x40;
	[sflag:s9] =	ssyncset.done @!p1 $0x0  }
0x43: {  	s11 =	simm.s32 @!p1 $0x80;
	s7 =	simm.s32 @!p1 $0x1;
	[sflag:s9] =	ssyncadd.s32 @!p1 $0xFFFFFF80  }
0x44: {  	[tilespmem:s11], [sflag:$0x1] =	stream.indirect.gather @!p1 [hbm4b:s5+s10], $0x80, s8, s10, $0xb8;
	[tilespmem:$0x4080] =	vst v63  }
0x45: {  	_ =	swait.ge @!p1 [sflag:s7], $0x2000  }
0x46: {  	[sflag:s7] =	ssyncset.done @!p1 $0x0  }
0x47: {  	[sflag:s7] =	ssyncadd.s32 @!p1 $0xFFFFE000  }
0x48: {  	[hbm4b:s6+s8] =	stream.linear.scatter @!p1 [tilespmem:s11], [sflag:$0x2], $0x2000, $0x38;
	[tilespmem:$0x4080] =	vst v63  }
0x49: {  	_ =	swait.ge @!p1 [sflag:s9], $0x2000  }
0x4a: {  	[sflag:s9] =	ssyncset.done @!p1 $0x0  }
0x4b: {  	s5 =	simm.s32 @p0 $0x0;
	s6 =	simm.s32 @p0 $0x2;
	[sflag:s9] =	ssyncadd.s32 @!p1 $0xFFFFE000  }
0x4c: {  	[tilespmem:s5], [sflag:$0x2] =	stream.linear.gather @p0 [hbm4b:s4+s5], $0x80, $0x38;
	[tilespmem:$0x4080] =	vst v63  }
0x4d: {  	_ =	swait.ge @p0 [sflag:s6], $0x80  }
0x4e: {  	s7 =	simm.s32 @p0 $0x40;
	[sflag:s6] =	ssyncset.done @p0 $0x0  }
0x4f: {  	s8 =	simm.s32 @p0 $0x2080;
	s4 =	simm.s32 @p0 $0x1;
	[sflag:s6] =	ssyncadd.s32 @p0 $0xFFFFFF80  }
0x50: {  	[tilespmem:s8], [sflag:$0x1] =	stream.indirect.gather @p0 [hbm4b:s1+s7], $0x80, s5, s7, $0xb8;
	[tilespmem:$0x4080] =	vst v63  }
0x51: {  	_ =	swait.ge @p0 [sflag:s4], $0x2000  }
0x52: {  	[sflag:s4] =	ssyncset.done @p0 $0x0  }
0x53: {  	[sflag:s4] =	ssyncadd.s32 @p0 $0xFFFFE000  }
0x54: {  	[hbm4b:s3+s5] =	stream.linear.scatter @p0 [tilespmem:s8], [sflag:$0x2], $0x2000, $0x38;
	[tilespmem:$0x4080] =	vst v63  }
0x55: {  	_ =	swait.ge @p0 [sflag:s6], $0x2000  }
0x56: {  	[sflag:s6] =	ssyncset.done @p0 $0x0  }
0x57: {  	[sflag:s6] =	ssyncadd.s32 @p0 $0xFFFFE000  }
0x58: {  	_ =	sfence.sel $0x180000  }
0x59: {  	[bflag:$0x0] =	sbarrier.arrive $0xFFFF  }
0x5a: {  	p0 =	sne.s32 s2, $0x0;
	_ =	strace $0x90000047  }
0x5b: {  	s0 =	sadd.s32 @!p0 $0x100000, s0;
	[bflag:$0x2] =	sbarrier.arrive $0xFFFF  }
0x5c: {  	[sflag:s0] =	ssyncadd.tile.s32 @!p0 $0x1;
	_ =	shalt  }
.Lfunc_end2:
_tile_overlayer_lowered:
.L_overlay_start_2:
0x5d: {  	(tag) =	ssettag $0x2  }
0x5e: {  	s0 =	rddreg [dreg:$0x0];
	s2 =	stileid.u32  }
0x5f: {  	s1 =	rddreg [dreg:$0x1];
	p0 =	sne.s32 s2, $0x0  }
0x60: {  	s3 =	rddreg [dreg:$0x2];
	[bflag:$0x3] =	sbarrier.arrive $0xFFFF;
	s2 =	simm.s32 @!p0 $0x1C02  }
0x61: {  	[timem:s3], [sflag:s2] =	dma.local @!p0 [hbm:s0], s1  }
0x62: {  	s0 =	simm.s32 @!p0 $0x2  }
0x63: {  	_ =	swait.ge @!p0 [sflag:s0], s1  }
0x64: {  	s1 =	ssub.s32 @!p0 $0x0, s1;
	[sflag:s0] =	ssyncset.done @!p0 $0x0  }
0x65: {  	[sflag:s0] =	ssyncadd.s32 @!p0 s1  }
0x66: {  	[bflag:$0x3] =	sbarrier.arrive $0xFFFF  }
0x67: {  	_ =	shalt  }

</sc_bundles>
